<compile_context>
chip_gen: v7x
topology: tpu7x:2x2x1
jax: 0.10.2.dev20260603
libtpu: 0.0.44.dev20260713+nightly
codegen_flags: <defaults>
</compile_context>

<pallas_src>
import functools

import jax
import jax.numpy as jnp
from jax import lax
from jax.experimental import pallas as pl
from jax.experimental.pallas import tpu as pltpu
from jax.experimental.pallas import tpu_sc as plsc

_T = 128


def _make_sc_kernel(B, F, L):
    info = plsc.get_sparse_core_info()
    NC, NS, NL = info.num_cores, info.num_subcores, info.num_lanes
    NW = NC * NS
    NF = F // _T
    NLC = L // _T
    NBH = NW // (NF * NLC)
    BPW = B // NBH

    mesh = plsc.VectorSubcoreMesh(core_axis_name="c", subcore_axis_name="s")

    @functools.partial(
        pl.kernel,
        out_type=jax.ShapeDtypeStruct((B, F, L), jnp.float32),
        mesh=mesh,
        scratch_types=[
            pltpu.VMEM((_T, _T), jnp.float32),
            pltpu.VMEM((_T, _T), jnp.float32),
            pltpu.SemaphoreType.DMA,
        ],
        compiler_params=pltpu.CompilerParams(needs_layout_passes=False),
    )
    def sc_fn(table_hbm, out_hbm, in_v, t_v, sem):
        wid = lax.axis_index("s") * NC + lax.axis_index("c")
        fi = wid % NF
        li = (wid // NF) % NLC
        bh = wid // (NF * NLC)
        l0 = li * _T
        f0 = fi * _T

        pltpu.sync_copy(
            table_hbm.at[pl.ds(l0, _T), pl.ds(f0, _T)], in_v
        )

        rows = [k * NL + lax.iota(jnp.int32, NL) for k in range(_T // NL)]

        @plsc.parallel_loop(0, _T, step=1)
        def _(f):
            cols = jnp.full((NL,), 0, jnp.int32) + f
            for k in range(_T // NL):
                t_v[f, pl.ds(k * NL, NL)] = plsc.load_gather(in_v, [rows[k], cols])

        copies = [
            pltpu.make_async_copy(
                t_v,
                out_hbm.at[bh * BPW + db, pl.ds(f0, _T), pl.ds(l0, _T)],
                sem,
            )
            for db in range(BPW)
        ]
        for cp in copies:
            cp.start()
        for cp in copies:
            cp.wait()

    return sc_fn


def kernel(x, mask, row_embed):
    B = x.shape[0]
    F = x.shape[1]
    L = x.shape[-1]
    return _make_sc_kernel(B, F, L)(row_embed)

# --- scband reference (transcript-rebuilt; emitter-appended) ---
"""Pipeline reference for scband-position-embedding-learned-11484742549825 (READ-ONLY COPY).

The authoritative reference and input builder live on the scoring server;
editing this copy changes nothing except your own understanding.
"""

import jax, jax.numpy as jnp
import numpy as np


def setup_inputs(seed: int = 0) -> dict:
    key = jax.random.key(seed)
    k1, k2 = jax.random.split(key, 2)
    x = jax.random.normal(k1, (4, 256, 1024), dtype=jnp.float32)
    mask = jnp.zeros((4, 1024), dtype=bool)
    # learned row embedding table, initialized uniform [0,1) per reset_parameters
    row_embed = jax.random.uniform(k2, (1500, 256), dtype=jnp.float32)
    return {"x": x, "mask": mask, "row_embed": row_embed}


def reference(x, mask, row_embed):
    # x: [B, C, L]; mask unused (matches original forward)
    x_len = x.shape[-1]
    i = jnp.arange(x_len)
    x_emb = jnp.take(row_embed, i, axis=0)          # [L, F] embedding gather
    pos = jnp.transpose(x_emb, (1, 0))[None, :, :]   # [1, F, L]
    pos = jnp.tile(pos, (x.shape[0], 1, 1))          # [B, F, L]
    return pos

if __name__ == "__main__":
    import jax
    _d = setup_inputs()
    print(jax.jit(kernel)(*tuple(_d.values())))

</pallas_src>

<mosaic_0001>
#map = affine_map<(d0, d1) -> (0, 0)>
#map1 = affine_map<(d0, d1) -> (0, 0, 0)>
module attributes {stable_mosaic.version = 14 : i64} {
  func.func @sc_fn(%arg0: i32, %arg1: i32, %arg2: memref<1500x256xf32, #tpu.memory_space<hbm>>, %arg3: memref<4x256x1024xf32, #tpu.memory_space<hbm>>, %arg4: memref<128x128xf32, #tpu.memory_space<vmem>>, %arg5: memref<128x128xf32, #tpu.memory_space<vmem>>, %arg6: memref<!tpu.dma_semaphore, #tpu.memory_space<semaphore_mem>>) attributes {dimension_semantics = [#tpu.dimension_semantics<core_parallel>, #tpu.dimension_semantics<subcore_parallel>], iteration_bounds = array<i64: 2, 16>, scalar_prefetch = 0 : i64, scratch_operands = 3 : i64, tpu.core_type = #tpu.core_type<sc_vector_subcore>, window_params = [{transform_indices = #map}, {transform_indices = #map1}]} {
    %mul3A = arith.constant 2 : i32
    %mul3A_0 = arith.muli %arg1, %mul3A : i32
    %add3A = arith.addi %mul3A_0, %arg0 : i32
    %jit3A = arith.constant 2 : i32
    %eq3A = arith.constant 0 : i32
    %eq3A_1 = arith.cmpi eq, %jit3A, %eq3A : i32
    %jit3A_2 = arith.constant 1 : i32
    %select_n3A = arith.select %eq3A_1, %jit3A_2, %jit3A : i32
    %rem3A = arith.remsi %add3A, %select_n3A : i32
    %ne3A = arith.constant 0 : i32
    %ne3A_3 = arith.cmpi ne, %rem3A, %ne3A : i32
    %lt3A = arith.constant 0 : i32
    %lt3A_4 = arith.cmpi slt, %rem3A, %lt3A : i32
    %lt3A_5 = arith.constant 0 : i32
    %lt3A_6 = arith.cmpi slt, %select_n3A, %lt3A_5 : i32
    %ne3A_7 = arith.xori %lt3A_4, %lt3A_6 : i1
    %and3A = arith.andi %ne3A_7, %ne3A_3 : i1
    %add3A_8 = arith.addi %rem3A, %select_n3A : i32
    %select_n3A_9 = arith.select %and3A, %add3A_8, %rem3A : i32
    %jit3A_10 = arith.constant 2 : i32
    %div3A = arith.divsi %add3A, %jit3A_10 : i32
    %sign3A = arith.constant 0 : i32
    %sign3A_11 = arith.cmpi sgt, %add3A, %sign3A : i32
    %sign3A_12 = arith.extui %sign3A_11 : i1 to i32
    %sign3A_13 = arith.constant 0 : i32
    %sign3A_14 = arith.cmpi slt, %add3A, %sign3A_13 : i32
    %sign3A_15 = arith.extui %sign3A_14 : i1 to i32
    %sign3A_16 = arith.subi %sign3A_12, %sign3A_15 : i32
    %sign3A_17 = arith.constant 0 : i32
    %sign3A_18 = arith.cmpi sgt, %jit3A_10, %sign3A_17 : i32
    %sign3A_19 = arith.extui %sign3A_18 : i1 to i32
    %sign3A_20 = arith.constant 0 : i32
    %sign3A_21 = arith.cmpi slt, %jit3A_10, %sign3A_20 : i32
    %sign3A_22 = arith.extui %sign3A_21 : i1 to i32
    %sign3A_23 = arith.subi %sign3A_19, %sign3A_22 : i32
    %ne3A_24 = arith.cmpi ne, %sign3A_16, %sign3A_23 : i32
    %rem3A_25 = arith.remsi %add3A, %jit3A_10 : i32
    %ne3A_26 = arith.constant 0 : i32
    %ne3A_27 = arith.cmpi ne, %rem3A_25, %ne3A_26 : i32
    %and3A_28 = arith.andi %ne3A_24, %ne3A_27 : i1
    %sub3A = arith.constant 1 : i32
    %sub3A_29 = arith.subi %div3A, %sub3A : i32
    %select_n3A_30 = arith.select %and3A_28, %sub3A_29, %div3A : i32
    %jit3A_31 = arith.constant 8 : i32
    %eq3A_32 = arith.constant 0 : i32
    %eq3A_33 = arith.cmpi eq, %jit3A_31, %eq3A_32 : i32
    %jit3A_34 = arith.constant 1 : i32
    %select_n3A_35 = arith.select %eq3A_33, %jit3A_34, %jit3A_31 : i32
    %rem3A_36 = arith.remsi %select_n3A_30, %select_n3A_35 : i32
    %ne3A_37 = arith.constant 0 : i32
    %ne3A_38 = arith.cmpi ne, %rem3A_36, %ne3A_37 : i32
    %lt3A_39 = arith.constant 0 : i32
    %lt3A_40 = arith.cmpi slt, %rem3A_36, %lt3A_39 : i32
    %lt3A_41 = arith.constant 0 : i32
    %lt3A_42 = arith.cmpi slt, %select_n3A_35, %lt3A_41 : i32
    %ne3A_43 = arith.xori %lt3A_40, %lt3A_42 : i1
    %and3A_44 = arith.andi %ne3A_43, %ne3A_38 : i1
    %add3A_45 = arith.addi %rem3A_36, %select_n3A_35 : i32
    %select_n3A_46 = arith.select %and3A_44, %add3A_45, %rem3A_36 : i32
    %jit3A_47 = arith.constant 16 : i32
    %div3A_48 = arith.divsi %add3A, %jit3A_47 : i32
    %sign3A_49 = arith.constant 0 : i32
    %sign3A_50 = arith.cmpi sgt, %add3A, %sign3A_49 : i32
    %sign3A_51 = arith.extui %sign3A_50 : i1 to i32
    %sign3A_52 = arith.constant 0 : i32
    %sign3A_53 = arith.cmpi slt, %add3A, %sign3A_52 : i32
    %sign3A_54 = arith.extui %sign3A_53 : i1 to i32
    %sign3A_55 = arith.subi %sign3A_51, %sign3A_54 : i32
    %sign3A_56 = arith.constant 0 : i32
    %sign3A_57 = arith.cmpi sgt, %jit3A_47, %sign3A_56 : i32
    %sign3A_58 = arith.extui %sign3A_57 : i1 to i32
    %sign3A_59 = arith.constant 0 : i32
    %sign3A_60 = arith.cmpi slt, %jit3A_47, %sign3A_59 : i32
    %sign3A_61 = arith.extui %sign3A_60 : i1 to i32
    %sign3A_62 = arith.subi %sign3A_58, %sign3A_61 : i32
    %ne3A_63 = arith.cmpi ne, %sign3A_55, %sign3A_62 : i32
    %rem3A_64 = arith.remsi %add3A, %jit3A_47 : i32
    %ne3A_65 = arith.constant 0 : i32
    %ne3A_66 = arith.cmpi ne, %rem3A_64, %ne3A_65 : i32
    %and3A_67 = arith.andi %ne3A_63, %ne3A_66 : i1
    %sub3A_68 = arith.constant 1 : i32
    %sub3A_69 = arith.subi %div3A_48, %sub3A_68 : i32
    %select_n3A_70 = arith.select %and3A_67, %sub3A_69, %div3A_48 : i32
    %mul3A_71 = arith.constant 128 : i32
    %mul3A_72 = arith.muli %select_n3A_46, %mul3A_71 : i32
    %mul3A_73 = arith.constant 128 : i32
    %mul3A_74 = arith.muli %select_n3A_9, %mul3A_73 : i32
    "tpu.region"() ({
      %run_scoped3A = tpu.sem_alloc : memref<!tpu.dma_semaphore, #tpu.memory_space<semaphore_mem>>
      %dma_start3A_130 = tpu.memref_slice %arg2[%mul3A_72, %mul3A_74] : memref<1500x256xf32, #tpu.memory_space<hbm>> -> memref<128x128xf32, #tpu.memory_space<hbm>>
      %dma_start3A_131 = tpu.memref_slice %arg2[%mul3A_72, %mul3A_74] : memref<1500x256xf32, #tpu.memory_space<hbm>> -> memref<128x128xf32, #tpu.memory_space<hbm>>
      tpu.enqueue_dma source(%dma_start3A_131 : memref<128x128xf32, #tpu.memory_space<hbm>>) target(%arg4 : memref<128x128xf32, #tpu.memory_space<vmem>>) target_semaphore(%run_scoped3A : memref<!tpu.dma_semaphore, #tpu.memory_space<semaphore_mem>>)
      %dma_wait3A_132 = tpu.memref_slice %arg2[%mul3A_72, %mul3A_74] : memref<1500x256xf32, #tpu.memory_space<hbm>> -> memref<128x128xf32, #tpu.memory_space<hbm>>
      %dma_wait3A_133 = tpu.memref_slice %arg2[%mul3A_72, %mul3A_74] : memref<1500x256xf32, #tpu.memory_space<hbm>> -> memref<128x128xf32, #tpu.memory_space<hbm>>
      tpu.wait_dma2 semaphore(%run_scoped3A : memref<!tpu.dma_semaphore, #tpu.memory_space<semaphore_mem>>) src(%dma_wait3A_133 : memref<128x128xf32, #tpu.memory_space<hbm>>) dst(%arg4 : memref<128x128xf32, #tpu.memory_space<vmem>>)
      tpu.yield
    }) : () -> ()
    %iota3A = tpu.iota {dimensions = array<i32: 0>} : vector<16xi32>
    %add3A_75 = arith.constant 0 : i32
    %add3A_76 = vector.broadcast %add3A_75 : i32 to vector<16xi32>
    %add3A_77 = arith.addi %add3A_76, %iota3A : vector<16xi32>
    %iota3A_78 = tpu.iota {dimensions = array<i32: 0>} : vector<16xi32>
    %add3A_79 = arith.constant 16 : i32
    %add3A_80 = vector.broadcast %add3A_79 : i32 to vector<16xi32>
    %add3A_81 = arith.addi %add3A_80, %iota3A_78 : vector<16xi32>
    %iota3A_82 = tpu.iota {dimensions = array<i32: 0>} : vector<16xi32>
    %add3A_83 = arith.constant 32 : i32
    %add3A_84 = vector.broadcast %add3A_83 : i32 to vector<16xi32>
    %add3A_85 = arith.addi %add3A_84, %iota3A_82 : vector<16xi32>
    %iota3A_86 = tpu.iota {dimensions = array<i32: 0>} : vector<16xi32>
    %add3A_87 = arith.constant 48 : i32
    %add3A_88 = vector.broadcast %add3A_87 : i32 to vector<16xi32>
    %add3A_89 = arith.addi %add3A_88, %iota3A_86 : vector<16xi32>
    %iota3A_90 = tpu.iota {dimensions = array<i32: 0>} : vector<16xi32>
    %add3A_91 = arith.constant 64 : i32
    %add3A_92 = vector.broadcast %add3A_91 : i32 to vector<16xi32>
    %add3A_93 = arith.addi %add3A_92, %iota3A_90 : vector<16xi32>
    %iota3A_94 = tpu.iota {dimensions = array<i32: 0>} : vector<16xi32>
    %add3A_95 = arith.constant 80 : i32
    %add3A_96 = vector.broadcast %add3A_95 : i32 to vector<16xi32>
    %add3A_97 = arith.addi %add3A_96, %iota3A_94 : vector<16xi32>
    %iota3A_98 = tpu.iota {dimensions = array<i32: 0>} : vector<16xi32>
    %add3A_99 = arith.constant 96 : i32
    %add3A_100 = vector.broadcast %add3A_99 : i32 to vector<16xi32>
    %add3A_101 = arith.addi %add3A_100, %iota3A_98 : vector<16xi32>
    %iota3A_102 = tpu.iota {dimensions = array<i32: 0>} : vector<16xi32>
    %add3A_103 = arith.constant 112 : i32
    %add3A_104 = vector.broadcast %add3A_103 : i32 to vector<16xi32>
    %add3A_105 = arith.addi %add3A_104, %iota3A_102 : vector<16xi32>
    %parallel_loop3A = arith.constant 0 : i32
    %parallel_loop3A_106 = arith.constant 128 : i32
    %parallel_loop3A_107 = arith.constant 1 : i32
    scf.for %parallel_loop3A_130 = %parallel_loop3A to %parallel_loop3A_106 step %parallel_loop3A_107  : i32 {
      %parallel_loop3A_131 = arith.constant 0 : i32
      %parallel_loop3A_132 = vector.broadcast %parallel_loop3A_131 : i32 to vector<16xi32>
      %parallel_loop3A_133 = vector.broadcast %parallel_loop3A_130 : i32 to vector<16xi32>
      %parallel_loop3A_134 = arith.addi %parallel_loop3A_132, %parallel_loop3A_133 : vector<16xi32>
      %parallel_loop3A_135 = tpu.vector_load_idx %arg4[%add3A_77, %parallel_loop3A_134] : memref<128x128xf32, #tpu.memory_space<vmem>>[vector<16xi32>, vector<16xi32>], vector<16xf32>,
      %parallel_loop3A_136 = arith.index_cast %parallel_loop3A_130 : i32 to index
      %parallel_loop3A_137 = arith.constant 0 : index
      %parallel_loop3A_138 = tpu.vector_load %arg5[%parallel_loop3A_136, %parallel_loop3A_137] {strides = array<i32>} : memref<128x128xf32, #tpu.memory_space<vmem>>, vector<16xf32>,
      tpu.vector_store %arg5[%parallel_loop3A_136, %parallel_loop3A_137], %parallel_loop3A_135 {strides = array<i32>} : memref<128x128xf32, #tpu.memory_space<vmem>>, vector<16xf32>,
      %parallel_loop3A_139 = tpu.vector_load_idx %arg4[%add3A_81, %parallel_loop3A_134] : memref<128x128xf32, #tpu.memory_space<vmem>>[vector<16xi32>, vector<16xi32>], vector<16xf32>,
      %parallel_loop3A_140 = arith.index_cast %parallel_loop3A_130 : i32 to index
      %parallel_loop3A_141 = arith.constant 16 : index
      %parallel_loop3A_142 = tpu.vector_load %arg5[%parallel_loop3A_140, %parallel_loop3A_141] {strides = array<i32>} : memref<128x128xf32, #tpu.memory_space<vmem>>, vector<16xf32>,
      tpu.vector_store %arg5[%parallel_loop3A_140, %parallel_loop3A_141], %parallel_loop3A_139 {strides = array<i32>} : memref<128x128xf32, #tpu.memory_space<vmem>>, vector<16xf32>,
      %parallel_loop3A_143 = tpu.vector_load_idx %arg4[%add3A_85, %parallel_loop3A_134] : memref<128x128xf32, #tpu.memory_space<vmem>>[vector<16xi32>, vector<16xi32>], vector<16xf32>,
      %parallel_loop3A_144 = arith.index_cast %parallel_loop3A_130 : i32 to index
      %parallel_loop3A_145 = arith.constant 32 : index
      %parallel_loop3A_146 = tpu.vector_load %arg5[%parallel_loop3A_144, %parallel_loop3A_145] {strides = array<i32>} : memref<128x128xf32, #tpu.memory_space<vmem>>, vector<16xf32>,
      tpu.vector_store %arg5[%parallel_loop3A_144, %parallel_loop3A_145], %parallel_loop3A_143 {strides = array<i32>} : memref<128x128xf32, #tpu.memory_space<vmem>>, vector<16xf32>,
      %parallel_loop3A_147 = tpu.vector_load_idx %arg4[%add3A_89, %parallel_loop3A_134] : memref<128x128xf32, #tpu.memory_space<vmem>>[vector<16xi32>, vector<16xi32>], vector<16xf32>,
      %parallel_loop3A_148 = arith.index_cast %parallel_loop3A_130 : i32 to index
      %parallel_loop3A_149 = arith.constant 48 : index
      %parallel_loop3A_150 = tpu.vector_load %arg5[%parallel_loop3A_148, %parallel_loop3A_149] {strides = array<i32>} : memref<128x128xf32, #tpu.memory_space<vmem>>, vector<16xf32>,
      tpu.vector_store %arg5[%parallel_loop3A_148, %parallel_loop3A_149], %parallel_loop3A_147 {strides = array<i32>} : memref<128x128xf32, #tpu.memory_space<vmem>>, vector<16xf32>,
      %parallel_loop3A_151 = tpu.vector_load_idx %arg4[%add3A_93, %parallel_loop3A_134] : memref<128x128xf32, #tpu.memory_space<vmem>>[vector<16xi32>, vector<16xi32>], vector<16xf32>,
      %parallel_loop3A_152 = arith.index_cast %parallel_loop3A_130 : i32 to index
      %parallel_loop3A_153 = arith.constant 64 : index
      %parallel_loop3A_154 = tpu.vector_load %arg5[%parallel_loop3A_152, %parallel_loop3A_153] {strides = array<i32>} : memref<128x128xf32, #tpu.memory_space<vmem>>, vector<16xf32>,
      tpu.vector_store %arg5[%parallel_loop3A_152, %parallel_loop3A_153], %parallel_loop3A_151 {strides = array<i32>} : memref<128x128xf32, #tpu.memory_space<vmem>>, vector<16xf32>,
      %parallel_loop3A_155 = tpu.vector_load_idx %arg4[%add3A_97, %parallel_loop3A_134] : memref<128x128xf32, #tpu.memory_space<vmem>>[vector<16xi32>, vector<16xi32>], vector<16xf32>,
      %parallel_loop3A_156 = arith.index_cast %parallel_loop3A_130 : i32 to index
      %parallel_loop3A_157 = arith.constant 80 : index
      %parallel_loop3A_158 = tpu.vector_load %arg5[%parallel_loop3A_156, %parallel_loop3A_157] {strides = array<i32>} : memref<128x128xf32, #tpu.memory_space<vmem>>, vector<16xf32>,
      tpu.vector_store %arg5[%parallel_loop3A_156, %parallel_loop3A_157], %parallel_loop3A_155 {strides = array<i32>} : memref<128x128xf32, #tpu.memory_space<vmem>>, vector<16xf32>,
      %parallel_loop3A_159 = tpu.vector_load_idx %arg4[%add3A_101, %parallel_loop3A_134] : memref<128x128xf32, #tpu.memory_space<vmem>>[vector<16xi32>, vector<16xi32>], vector<16xf32>,
      %parallel_loop3A_160 = arith.index_cast %parallel_loop3A_130 : i32 to index
      %parallel_loop3A_161 = arith.constant 96 : index
      %parallel_loop3A_162 = tpu.vector_load %arg5[%parallel_loop3A_160, %parallel_loop3A_161] {strides = array<i32>} : memref<128x128xf32, #tpu.memory_space<vmem>>, vector<16xf32>,
      tpu.vector_store %arg5[%parallel_loop3A_160, %parallel_loop3A_161], %parallel_loop3A_159 {strides = array<i32>} : memref<128x128xf32, #tpu.memory_space<vmem>>, vector<16xf32>,
      %parallel_loop3A_163 = tpu.vector_load_idx %arg4[%add3A_105, %parallel_loop3A_134] : memref<128x128xf32, #tpu.memory_space<vmem>>[vector<16xi32>, vector<16xi32>], vector<16xf32>,
      %parallel_loop3A_164 = arith.index_cast %parallel_loop3A_130 : i32 to index
      %parallel_loop3A_165 = arith.constant 112 : index
      %parallel_loop3A_166 = tpu.vector_load %arg5[%parallel_loop3A_164, %parallel_loop3A_165] {strides = array<i32>} : memref<128x128xf32, #tpu.memory_space<vmem>>, vector<16xf32>,
      tpu.vector_store %arg5[%parallel_loop3A_164, %parallel_loop3A_165], %parallel_loop3A_163 {strides = array<i32>} : memref<128x128xf32, #tpu.memory_space<vmem>>, vector<16xf32>,
    } {sc.loop_unroll_factor = 1 : i64, sc.parallel_access}
    %mul3A_108 = arith.constant 2 : i32
    %mul3A_109 = arith.muli %select_n3A_70, %mul3A_108 : i32
    %add3A_110 = arith.constant 0 : i32
    %add3A_111 = arith.addi %mul3A_109, %add3A_110 : i32
    %mul3A_112 = arith.constant 2 : i32
    %mul3A_113 = arith.muli %select_n3A_70, %mul3A_112 : i32
    %add3A_114 = arith.constant 1 : i32
    %add3A_115 = arith.addi %mul3A_113, %add3A_114 : i32
    %dma_start3A = tpu.memref_slice %arg3[%add3A_111, %mul3A_74, %mul3A_72] : memref<4x256x1024xf32, #tpu.memory_space<hbm>> -> memref<1x128x128xf32, #tpu.memory_space<hbm>>
    %dma_start3A_116 = tpu.memref_squeeze %dma_start3A : memref<1x128x128xf32, #tpu.memory_space<hbm>> -> memref<128x128xf32, #tpu.memory_space<hbm>>
    %dma_start3A_117 = tpu.memref_slice %arg3[%add3A_111, %mul3A_74, %mul3A_72] : memref<4x256x1024xf32, #tpu.memory_space<hbm>> -> memref<1x128x128xf32, #tpu.memory_space<hbm>>
    %dma_start3A_118 = tpu.memref_squeeze %dma_start3A_117 : memref<1x128x128xf32, #tpu.memory_space<hbm>> -> memref<128x128xf32, #tpu.memory_space<hbm>>
    tpu.enqueue_dma source(%arg5 : memref<128x128xf32, #tpu.memory_space<vmem>>) target(%dma_start3A_118 : memref<128x128xf32, #tpu.memory_space<hbm>>) target_semaphore(%arg6 : memref<!tpu.dma_semaphore, #tpu.memory_space<semaphore_mem>>)
    %dma_start3A_119 = tpu.memref_slice %arg3[%add3A_115, %mul3A_74, %mul3A_72] : memref<4x256x1024xf32, #tpu.memory_space<hbm>> -> memref<1x128x128xf32, #tpu.memory_space<hbm>>
    %dma_start3A_120 = tpu.memref_squeeze %dma_start3A_119 : memref<1x128x128xf32, #tpu.memory_space<hbm>> -> memref<128x128xf32, #tpu.memory_space<hbm>>
    %dma_start3A_121 = tpu.memref_slice %arg3[%add3A_115, %mul3A_74, %mul3A_72] : memref<4x256x1024xf32, #tpu.memory_space<hbm>> -> memref<1x128x128xf32, #tpu.memory_space<hbm>>
    %dma_start3A_122 = tpu.memref_squeeze %dma_start3A_121 : memref<1x128x128xf32, #tpu.memory_space<hbm>> -> memref<128x128xf32, #tpu.memory_space<hbm>>
    tpu.enqueue_dma source(%arg5 : memref<128x128xf32, #tpu.memory_space<vmem>>) target(%dma_start3A_122 : memref<128x128xf32, #tpu.memory_space<hbm>>) target_semaphore(%arg6 : memref<!tpu.dma_semaphore, #tpu.memory_space<semaphore_mem>>)
    %dma_wait3A = tpu.memref_slice %arg3[%add3A_111, %mul3A_74, %mul3A_72] : memref<4x256x1024xf32, #tpu.memory_space<hbm>> -> memref<1x128x128xf32, #tpu.memory_space<hbm>>
    %dma_wait3A_123 = tpu.memref_squeeze %dma_wait3A : memref<1x128x128xf32, #tpu.memory_space<hbm>> -> memref<128x128xf32, #tpu.memory_space<hbm>>
    %dma_wait3A_124 = tpu.memref_slice %arg3[%add3A_111, %mul3A_74, %mul3A_72] : memref<4x256x1024xf32, #tpu.memory_space<hbm>> -> memref<1x128x128xf32, #tpu.memory_space<hbm>>
    %dma_wait3A_125 = tpu.memref_squeeze %dma_wait3A_124 : memref<1x128x128xf32, #tpu.memory_space<hbm>> -> memref<128x128xf32, #tpu.memory_space<hbm>>
    tpu.wait_dma2 semaphore(%arg6 : memref<!tpu.dma_semaphore, #tpu.memory_space<semaphore_mem>>) src(%arg5 : memref<128x128xf32, #tpu.memory_space<vmem>>) dst(%dma_wait3A_125 : memref<128x128xf32, #tpu.memory_space<hbm>>)
    %dma_wait3A_126 = tpu.memref_slice %arg3[%add3A_115, %mul3A_74, %mul3A_72] : memref<4x256x1024xf32, #tpu.memory_space<hbm>> -> memref<1x128x128xf32, #tpu.memory_space<hbm>>
    %dma_wait3A_127 = tpu.memref_squeeze %dma_wait3A_126 : memref<1x128x128xf32, #tpu.memory_space<hbm>> -> memref<128x128xf32, #tpu.memory_space<hbm>>
    %dma_wait3A_128 = tpu.memref_slice %arg3[%add3A_115, %mul3A_74, %mul3A_72] : memref<4x256x1024xf32, #tpu.memory_space<hbm>> -> memref<1x128x128xf32, #tpu.memory_space<hbm>>
    %dma_wait3A_129 = tpu.memref_squeeze %dma_wait3A_128 : memref<1x128x128xf32, #tpu.memory_space<hbm>> -> memref<128x128xf32, #tpu.memory_space<hbm>>
    tpu.wait_dma2 semaphore(%arg6 : memref<!tpu.dma_semaphore, #tpu.memory_space<semaphore_mem>>) src(%arg5 : memref<128x128xf32, #tpu.memory_space<vmem>>) dst(%dma_wait3A_129 : memref<128x128xf32, #tpu.memory_space<hbm>>)
    return
  }
}

</mosaic_0001>

<sc_bundles>
// kernel: kernel.3.cloned.1.call-start
scs
__scs_entry_jumppad:
0x0: {  	(pc) =	sbr.rel $0x88, $3  }
0x1: {  	(tag) =	ssettag $0x0;
	lr =	simm.s32 $0x1  }
0x2: {  	[smem:$0x3FA0] =	sst lr;
	_ =	strace $0xD0000000  }
0x3: {  	_ = 	snop  }
0x4: {  	_ = 	snop  }
0x5: {  	_ = 	snop  }
0x6: {  	_ = 	snop  }
0x7: {  	_ = 	snop  }
__scs_overlays_trampoline_lowered:
0x8: {  	[smem:$0x3FAF] =	sst s0  }
0x9: {  	[smem:$0x3FB0] =	sst s1  }
0xa: {  	[smem:$0x3FB1] =	sst s2  }
0xb: {  	[smem:$0x3FB2] =	sst s3  }
0xc: {  	[smem:$0x3FB3] =	sst s4  }
0xd: {  	[smem:$0x3FB4] =	sst s5  }
0xe: {  	[smem:$0x3FB5] =	sst s6  }
0xf: {  	[smem:$0x3FB6] =	sst s7  }
0x10: {  	[smem:$0x3FB7] =	sst s8  }
0x11: {  	[smem:$0x3FB8] =	sst s9;
	s0 =	simm.s32 @!p0 $0x0  }
0x12: {  	s1 =	sld [smem:$0x3F9E];
	s0 =	simm.s32 @p0 $0x1  }
0x13: {  	[smem:$0x3FB9] =	sst s0;
	s0 =	simm.s32 @!p1 $0x0  }
0x14: {  	s2 =	sld [smem:$0x3F9D];
	s0 =	simm.s32 @p1 $0x1  }
0x15: {  	[smem:$0x3FBA] =	sst s0;
	s0 =	simm.s32 @!p2 $0x0  }
0x16: {  	s3 =	sld [smem:$0x3FDB];
	s0 =	simm.s32 @p2 $0x1  }
0x17: {  	s4 =	simm.s32 $0x1BF5;
	[smem:$0x3FBC] =	sst s0  }
0x18: {  	s0 =	sld [smem:$0x3F9F];
	_ =	swait.ge [sflag:s4], $0x0  }
0x19: {  	s7 =	sld [smem:$0x3FA0]  }
0x1a: {  	s8 =	sadd.s32 $0xFFFFE003, lr  }
0x1b: {  	s9 =	sadd.s32 $0xFFFFFEF7, lr;
	s5 =	simm.s32 $0xFFFFFFFF;
	p2 =	slt.u32 s8, $0xFFFFF086  }
0x1c: {  	p1 =	slt.u32 s9, $0xF7A;
	s5 =	simm.s32 @!p2 $0x0  }
0x1d: {  	s5 =	simm.s32 @p1 $0x1;
	p0 =	seq.s32 s7, s2  }
0x1e: {  	s7 =	smul.u32 @!p0 $0xF7A, s2;
	p2 =	seq.s32 @!p0 s5, $0x0  }
0x1f: {  	s9 =	smul.u32 $0xF7A, s1;
	s8 =	simm.s32 @!p0 $0x1BF5;
	p2 =	por !p2, p0  }
0x20: {  	[sflag:s8] =	ssyncset.s32 @!p0 $0xFFFFF086;
	s6 =	sadd.s32 @!p0 s3, s7;
	s7 =	simm.s32 @!p0 $0x108  }
0x21: {  	s3 =	sadd.s32 s3, s9;
	s6 =	sadd.s32 @!p0 $0x88, s6;
	s7 =	simm.s32 @p2 $0x1082  }
0x22: {  	[simem:s7], [sflag:s8] =	dma.local @!p0 [hbm:s6], $0xF7A  }
0x23: {  	s9 =	sor.u32 $0xD0000000, s2;
	s6 =	simm.s32 $0x108;
	_ =	swait.ge @!p0 [sflag:s8], $0x0  }
0x24: {  	s3 =	sadd.s32 $0x88, s3;
	s6 =	simm.s32 @!p1 $0x1082;
	[sflag:s4] =	ssyncset.s32 $0xFFFFF086  }
0x25: {  	[simem:s6], [sflag:s4] =	dma.local [hbm:s3], $0xF7A  }
0x26: {  	[smem:$0x3FA0] =	sst s1;
	(tag) =	ssettag s2;
	_ =	strace s9  }
0x27: {  	s1 =	sld [smem:$0x3FB0]  }
0x28: {  	s2 =	sld [smem:$0x3FB1]  }
0x29: {  	s4 =	sld [smem:$0x3FB3]  }
0x2a: {  	p0 =	seq.s32 s5, $0x0;
	s5 =	sld [smem:$0x3FB4]  }
0x2b: {  	s6 =	sld [smem:$0x3FB5]  }
0x2c: {  	s7 =	sld [smem:$0x3FB6]  }
0x2d: {  	s3 =	simm.s32 $0x108;
	s8 =	sld [smem:$0x3FB7]  }
0x2e: {  	s3 =	simm.s32 @!p0 $0x1082;
	s9 =	sld [smem:$0x3FB8]  }
0x2f: {  	lr =	sadd.s32 s0, s3;
	s0 =	sld [smem:$0x3FAF]  }
0x30: {  	s3 =	sld [smem:$0x3FB2]  }
0x31: {  	[smem:$0x3FBB] =	sst s10  }
0x32: {  	s10 =	sld [smem:$0x3FB9];
	_ =	sdelay $0x3  }
0x33: {  	p0 =	seq.s32 s10, $0x1;
	s10 =	sld [smem:$0x3FBB];
	_ =	sdelay $0x3  }
0x34: {  	[smem:$0x3FBB] =	sst s10  }
0x35: {  	s10 =	sld [smem:$0x3FBA];
	_ =	sdelay $0x3  }
0x36: {  	p1 =	seq.s32 s10, $0x1;
	s10 =	sld [smem:$0x3FBB];
	_ =	sdelay $0x3  }
0x37: {  	[smem:$0x3FBB] =	sst s10  }
0x38: {  	s10 =	sld [smem:$0x3FBC]  }
0x39: {  	_ = 	snop;
	(pc) =	sbr.ind lr, $3  }
0x3a: {  	_ = 	snop  }
0x3b: {  	_ = 	snop  }
0x3c: {  	p2 =	seq.s32 s10, $0x1;
	s10 =	sld [smem:$0x3FBB]  }
0x3d: {  	_ =	shalt  }
0x3e: {  	_ =	shalt  }
0x3f: {  	_ =	shalt  }
0x40: {  	_ =	shalt  }
0x41: {  	_ =	shalt  }
0x42: {  	_ =	shalt  }
0x43: {  	_ =	shalt  }
0x44: {  	_ =	shalt  }
0x45: {  	_ =	shalt  }
0x46: {  	_ =	shalt  }
0x47: {  	_ =	shalt  }
0x48: {  	_ =	shalt  }
0x49: {  	_ =	shalt  }
0x4a: {  	_ =	shalt  }
0x4b: {  	_ =	shalt  }
0x4c: {  	_ =	shalt  }
0x4d: {  	_ =	shalt  }
0x4e: {  	_ =	shalt  }
0x4f: {  	_ =	shalt  }
0x50: {  	_ =	shalt  }
0x51: {  	_ =	shalt  }
0x52: {  	_ =	shalt  }
0x53: {  	_ =	shalt  }
0x54: {  	_ =	shalt  }
0x55: {  	_ =	shalt  }
0x56: {  	_ =	shalt  }
0x57: {  	_ =	shalt  }
0x58: {  	_ =	shalt  }
0x59: {  	_ =	shalt  }
0x5a: {  	_ =	shalt  }
0x5b: {  	_ =	shalt  }
0x5c: {  	_ =	shalt  }
0x5d: {  	_ =	shalt  }
0x5e: {  	_ =	shalt  }
0x5f: {  	_ =	shalt  }
0x60: {  	_ =	shalt  }
0x61: {  	_ =	shalt  }
0x62: {  	_ =	shalt  }
0x63: {  	_ =	shalt  }
0x64: {  	_ =	shalt  }
0x65: {  	_ =	shalt  }
0x66: {  	_ =	shalt  }
0x67: {  	_ =	shalt  }
0x68: {  	_ =	shalt  }
0x69: {  	_ =	shalt  }
0x6a: {  	_ =	shalt  }
0x6b: {  	_ =	shalt  }
0x6c: {  	_ =	shalt  }
0x6d: {  	_ =	shalt  }
0x6e: {  	_ =	shalt  }
0x6f: {  	_ =	shalt  }
0x70: {  	_ =	shalt  }
0x71: {  	_ =	shalt  }
0x72: {  	_ =	shalt  }
0x73: {  	_ =	shalt  }
0x74: {  	_ =	shalt  }
0x75: {  	_ =	shalt  }
0x76: {  	_ =	shalt  }
0x77: {  	_ =	shalt  }
0x78: {  	_ =	shalt  }
0x79: {  	_ =	shalt  }
0x7a: {  	_ =	shalt  }
0x7b: {  	_ =	shalt  }
0x7c: {  	_ =	shalt  }
0x7d: {  	_ =	shalt  }
0x7e: {  	_ =	shalt  }
0x7f: {  	_ =	shalt  }
0x80: {  	_ =	shalt  }
0x81: {  	_ =	shalt  }
0x82: {  	_ =	shalt  }
0x83: {  	_ =	shalt  }
0x84: {  	_ =	shalt  }
0x85: {  	_ =	shalt  }
0x86: {  	_ =	shalt  }
0x87: {  	_ =	shalt  }
.Lfunc_end0:
.L_simem_size_0:
called_computation_lowered:
.L_overlay_start_0:
0x88: {  	s2 =	sld [smem:$0x3FD9]  }
0x89: {  	s3 =	sld [smem:$0x3FFE];
	_ =	sdelay $0x1  }
0x8a: {  	s1 =	srdreg.scid  }
0x8b: {  	s0 =	sand.u32 $0x1, s1  }
0x8c: {  	s18 =	sshll.u32 s0, $0xA;
	s2 =	sadd.s32 s3, s2  }
0x8d: {  	s2 =	sadd.s32 s2, s18  }
0x8e: {  	[smem:$0x3FC7] =	sst s2  }
0x8f: {  	_ = 	snop  }
0x90: {  	s2 =	sld [smem:$0x3FC9]  }
0x91: {  	s19 =	sld [smem:$0x3FD0];
	(tm) =	ssettm $0x1  }
0x92: {  	s4 =	sld [smem:$0x3FFB];
	_ =	sdelay $0x3  }
0x93: {  	_ =	strace s4  }
0x94: {  	s4 =	sld [smem:$0x3FFC];
	_ =	sdelay $0x3  }
0x95: {  	_ =	strace s4  }
0x96: {  	s4 =	sld [smem:$0x3FFD];
	_ =	sdelay $0x3  }
0x97: {  	_ =	strace s4  }
0x98: {  	_ =	strace $0x8FFFFFFF  }
0x99: {  	s20 =	sld [smem:$0x3FDB];
	_ =	sdelay $0x1  }
0x9a: {  	s5 =	simm.s32 $_scs_section_size  }
0x9b: {  	s6 =	simm.s32 $_size__tile_overlayer_lowered;
	s7 =	simm.s32 $_tile_overlayer_lowered  }
0x9c: {  	s23 =	simm.s32 $0x1BFF;
	s22 =	sshll.u32 s7, $0x1;
	s4 =	sadd.s32 s5, s20  }
0x9d: {  	s8 =	simm.s32 $0x0;
	s21 =	sshll.u32 s6, $0x1;
	s6 =	sadd.s32 s22, s4  }
0x9e: {  	[timem:s8], [sflag:s23] =	dma.local [hbm:s6], s21  }
0x9f: {  	_ =	swait.ge [sflag:s23], s21  }
0xa0: {  	s5 =	ssub.s32 $0x0, s21;
	[sflag:s23] =	ssyncset.done $0x0  }
0xa1: {  	[sflag:s23] =	ssyncadd.s32 s5;
	_ =	sdelay $0x1  }
0xa2: {  	s24 =	simm.s32 $0x1B8B  }
0xa3: {  	_ =	swait.ge [sflag:s24], $0x1  }
0xa4: {  	[sflag:s24] =	ssyncset.done $0x0  }
0xa5: {  	s25 =	simm.s32 $0x1B8E;
	[sflag:s24] =	ssyncadd.s32 $0xFFFFFFFF  }
0xa6: {  	s26 =	simm.s32 $execute0_lowered;
	[smem:$0x3FD2] =	sst s25  }
0xa7: {  	s5 =	sshll.u32 s26, $0x1;
	_ =	strace $0x80000046;
	[dreg:$0x1] =	wrdreg $0xFFFFFFFF  }
0xa8: {  	s28 =	simm.s32 $_size_execute0_lowered;
	s4 =	sadd.s32 s4, s5;
	[dreg:$0x0] =	wrdreg $0x0  }
0xa9: {  	s5 =	sshll.u32 s28, $0x1;
	[dreg:$0x2] =	wrdreg s4  }
0xaa: {  	[dreg:$0x3] =	wrdreg s5  }
0xab: {  	[dreg:$0x4] =	wrdreg $0xC0  }
0xac: {  	_ =	task [dreg:s8], $0x5FFFF  }
0xad: {  	[dreg:$0x1] =	wrdreg $0xFFFFFFFF  }
0xae: {  	[dreg:$0x0] =	wrdreg $0x60  }
0xaf: {  	[dreg:$0x2] =	wrdreg s2  }
0xb0: {  	[dreg:$0x3] =	wrdreg s19  }
0xb1: {  	[dreg:$0x4] =	wrdreg $0x9  }
0xb2: {  	_ =	task.clear_ibuf [dreg:s8], $0x5FFFF;
	_ =	strace $0x90000046  }
0xb3: {  	s29 =	simm.s32 $0x9;
	_ =	strace $0x80000048  }
0xb4: {  	_ =	swait.ge [sflag:s29], $0x1  }
0xb5: {  	[sflag:s29] =	ssyncadd.s32 $0xFFFFFFFF  }
0xb6: {  	_ =	strace $0x90000048  }
0xb7: {  	_ =	sfence  }
0xb8: {  	s30 =	sld [smem:$0x0];
	_ =	sdelay $0x2  }
0xb9: {  	s31 =	sshll.u32 s1, $0xD;
	s1 =	sshrl.u32 s1, $0x2  }
0xba: {  	s3 =	sand.u32 $0x4000, s31;
	s1 =	sadd.s32 s1, s30  }
0xbb: {  	s0 =	sor.u32 s3, s0;
	s1 =	sshll.u32 s1, $0x11  }
0xbc: {  	s0 =	sor.u32 s1, s0  }
0xbd: {  	s0 =	sadd.s32 $0x8F2B, s0  }
0xbe: {  	[sflag:s0] =	ssyncadd.remote.s32 $0x1  }
0xbf: {  	_ =	sfence.sel $0xFFFF  }
0xc0: {  	[dreg:$0x0] =	wrdreg $0xFFFFFFFF;
	(pc) =	sbr.abs _section_cstart, $3  }
0xc1: {  	[dreg:$0x1] =	wrdreg $0xFFFFFFFF  }
0xc2: {  	_ =	task.clear_ibuf [dreg:s8], $0x2FFFF;
	_ =	strace $0x9FFFFFFF  }
0xc3: {  	(tm) =	ssettm $0x7FFFFFFF  }
tec
execute0_lowered:
.L_overlay_start_1:
0x0: {  	(tag) =	ssettag $0x1  }
0x1: {  	s1 =	srdreg.scid;
	s5 =	rddreg [dreg:$0x0]  }
0x2: {  	s0 =	stileid.u32;
	s6 =	rddreg [dreg:$0x1]  }
0x3: {  	s2 =	simm.s32 $0x0;
	s3 =	simm.s32 $0x1;
	s4 =	sand.u32 $0x1, s1  }
0x4: {  	s12 =	simm.s32 $0x4000;
	s13 =	simm.s32 $0x0;
	s1 =	sor.u32 s4, s0  }
0x5: {  	[smem:$0x7FF] =	sst s2;
	p0 =	seq.s32 s4, $0x1;
	p1 =	seq.s32 s1, $0x0  }
0x6: {  	s28 =	sshll.u32 s0, $0x10;
	s7 =	ssub.s32 $0x2, s4;
	p0 =	por !p1, !p0  }
0x7: {  	s10 =	sshll.u32 s4, $0x11;
	s4 =	sshll.u32 s4, $0x7;
	p0 =	por !p0, !p0  }
0x8: {  	s1 =	rddreg [dreg:$0x2];
	s8 =	sshrl.u32 s7, $0x1;
	s3 =	simm.s32 @!p0 $0x0  }
0x9: {  	s7 =	ssub.s32 s7, s8;
	s8 =	sand.u32 $0x80000, s28;
	s3 =	ssub.s32 s0, s3  }
0xa: {  	_ =	strace $0x80000047;
	s8 =	sor.u32 s10, s8;
	s3 =	sshll.u32 s3, $0x7  }
0xb: {  	v0 =	vlaneseq.u32;
	s4 =	sadd.s32 s5, s4;
	s30 =	sshrl.u32 s8, $0x3;
	s9 =	sand.u32 $0x380, s3  }
0xc: {  	v0 =	vmul.u32 $0x80, v0;
	s7 =	smax.u32 s7, $0x1;
	s5 =	sadd.s32 s6, s30;
	s29 =	sshll.u32 s9, $0x3  }
0xd: {  	s3 =	simm.s32 $0x1;
	s11 =	sshll.u32 s9, $0x5;
	s10 =	sor.u32 s29, s8  }
0xe: {  	v1 =	vor.u32 $0x800, v0;
	s5 =	sadd.s32 s9, s5;
	s9 =	simm.s32 $0x800;
	s31 =	sshrl.u32 s10, $0x3  }
0xf: {  	v2 =	vor.u32 $0x1000, v0;
	v3 =	vor.u32 $0x1800, v0;
	v4 =	vor.u32 $0x2000, v0;
	s4 =	sadd.s32 s11, s4;
	s8 =	simm.s32 $0x400;
	s6 =	sadd.s32 s31, s6  }
0x10: {  	v5 =	vor.u32 $0x2800, v0;
	v6 =	vor.u32 $0x3000, v0;
	v7 =	vor.u32 $0x3800, v0;
	s11 =	simm.s32 $0x2000;
	s10 =	simm.s32 $0x2;
	s6 =	sadd.s32 $0x8000, s6  }
.LBB2_1:
0x11: {  	v8 =	vmov s2  }
0x12: {  	v8 =	vand.u32 $0x7F, v8  }
0x13: {  	v17 =	vbroadcast v8, $0x0;
	_ =	sdelay $0x1  }
0x14: {  	v8 =	vor.u32 v0, v17  }
0x15: {  	[tilespmem:s2], [sflag:$0x2] =	stream.strided.gather [hbm4b:s4+s8], $0x4000, s9, s8, $0x38;
	[tilespmem:$0x8000] =	vst v63  }
0x16: {  	s14 =	simm.s32 $0x1;
	_ =	swait.ge [sflag:s10], $0x4000  }
0x17: {  	v9 =	vmov s14;
	[sflag:s10] =	ssyncset.done $0x0  }
0x18: {  	v9 =	vand.u32 $0x7F, v9;
	[sflag:s10] =	ssyncadd.s32 $0xFFFFC000  }
0x19: {  	v10 =	vbroadcast v9, $0x0;
	v8 =	vld.idx.msk [tilespmem:v8+s2+$0x0], $0xffff  }
0x1a: {  	v9 =	vor.u32 v1, v17  }
0x1b: {  	v11 =	vor.u32 v0, v10;
	_ =	sdelay $0x1  }
0x1c: {  	s19 =	simm.s32 $0x4040;
	s30 =	simm.s32 $0x2  }
0x1d: {  	[tilespmem:s19+$0xFFFFFFC0] =	vst v8;
	v8 =	vmov s30  }
0x1e: {  	v9 =	vld.idx.msk [tilespmem:v9+s2+$0x0], $0xffff;
	v8 =	vand.u32 $0x7F, v8  }
0x1f: {  	v12 =	vor.u32 v2, v17;
	v11 =	vld.idx.msk [tilespmem:v11+s2+$0x0], $0xffff;
	v8 =	vbroadcast v8, $0x0  }
0x20: {  	v13 =	vor.u32 v1, v10  }
0x21: {  	v14 =	vor.u32 v0, v8;
	_ =	sdelay $0x1  }
0x22: {  	s31 =	simm.s32 $0x3;
	s15 =	simm.s32 $0x40C0;
	[tilespmem:s19+$0xFFFFFFD0] =	vst v9  }
0x23: {  	[tilespmem:s15+$0xFFFFFFC0] =	vst v11;
	v9 =	vmov s31;
	v11 =	vld.idx.msk [tilespmem:v12+s2+$0x0], $0xffff  }
0x24: {  	v12 =	vld.idx.msk [tilespmem:v13+s2+$0x0], $0xffff;
	v9 =	vand.u32 $0x7F, v9;
	v13 =	vor.u32 v3, v17  }
0x25: {  	v15 =	vor.u32 v2, v10;
	v9 =	vbroadcast v9, $0x0;
	v14 =	vld.idx.msk [tilespmem:v14+s2+$0x0], $0xffff  }
0x26: {  	v16 =	vor.u32 v1, v8  }
0x27: {  	v18 =	vor.u32 v0, v9  }
0x28: {  	[tilespmem:s19+$0xFFFFFFE0] =	vst v11  }
0x29: {  	s16 =	simm.s32 $0x4;
	s14 =	simm.s32 $0x4140;
	[tilespmem:s15+$0xFFFFFFD0] =	vst v12;
	v12 =	vld.idx.msk [tilespmem:v13+s2+$0x0], $0xffff  }
0x2a: {  	v11 =	vmov s16;
	v13 =	vld.idx.msk [tilespmem:v15+s2+$0x0], $0xffff;
	[tilespmem:s14+$0xFFFFFFC0] =	vst v14;
	v14 =	vor.u32 v4, v17  }
0x2b: {  	v11 =	vand.u32 $0x7F, v11;
	v15 =	vld.idx.msk [tilespmem:v16+s2+$0x0], $0xffff;
	v16 =	vor.u32 v3, v10  }
0x2c: {  	v19 =	vor.u32 v2, v8;
	v11 =	vbroadcast v11, $0x0;
	v18 =	vld.idx.msk [tilespmem:v18+s2+$0x0], $0xffff  }
0x2d: {  	v20 =	vor.u32 v1, v9  }
0x2e: {  	v21 =	vor.u32 v0, v11;
	[tilespmem:s19+$0xFFFFFFF0] =	vst v12  }
0x2f: {  	[tilespmem:s15+$0xFFFFFFE0] =	vst v13;
	v13 =	vld.idx.msk [tilespmem:v14+s2+$0x0], $0xffff  }
0x30: {  	s17 =	simm.s32 $0x5;
	s16 =	simm.s32 $0x41C0;
	[tilespmem:s14+$0xFFFFFFD0] =	vst v15;
	v14 =	vld.idx.msk [tilespmem:v16+s2+$0x0], $0xffff;
	v15 =	vor.u32 v5, v17  }
0x31: {  	v12 =	vmov s17;
	[tilespmem:s16+$0xFFFFFFC0] =	vst v18;
	v18 =	vor.u32 v4, v10;
	v16 =	vld.idx.msk [tilespmem:v19+s2+$0x0], $0xffff  }
0x32: {  	v12 =	vand.u32 $0x7F, v12;
	v19 =	vld.idx.msk [tilespmem:v20+s2+$0x0], $0xffff;
	v20 =	vor.u32 v3, v8  }
0x33: {  	v22 =	vor.u32 v2, v9;
	v12 =	vbroadcast v12, $0x0;
	v21 =	vld.idx.msk [tilespmem:v21+s2+$0x0], $0xffff  }
0x34: {  	v23 =	vor.u32 v1, v11;
	[tilespmem:s19+$0x0] =	vst v13  }
0x35: {  	v13 =	vor.u32 v0, v12;
	[tilespmem:s15+$0xFFFFFFF0] =	vst v14;
	v14 =	vld.idx.msk [tilespmem:v15+s2+$0x0], $0xffff  }
0x36: {  	[tilespmem:s14+$0xFFFFFFE0] =	vst v16;
	v15 =	vld.idx.msk [tilespmem:v18+s2+$0x0], $0xffff  }
0x37: {  	s17 =	simm.s32 $0x4240;
	v16 =	vor.u32 v6, v17;
	[tilespmem:s16+$0xFFFFFFD0] =	vst v19;
	v18 =	vld.idx.msk [tilespmem:v20+s2+$0x0], $0xffff  }
0x38: {  	s18 =	simm.s32 $0x6;
	v19 =	vor.u32 v5, v10;
	[tilespmem:s17+$0xFFFFFFC0] =	vst v21;
	v20 =	vld.idx.msk [tilespmem:v22+s2+$0x0], $0xffff  }
0x39: {  	v21 =	vmov s18;
	v22 =	vor.u32 v4, v8;
	v23 =	vld.idx.msk [tilespmem:v23+s2+$0x0], $0xffff  }
0x3a: {  	v25 =	vor.u32 v3, v9;
	v26 =	vld.idx.msk [tilespmem:v13+s2+$0x0], $0xffff;
	v13 =	vand.u32 $0x7F, v21;
	[tilespmem:s19+$0x10] =	vst v14  }
0x3b: {  	v27 =	vor.u32 v2, v11;
	v13 =	vbroadcast v13, $0x0;
	[tilespmem:s15+$0x0] =	vst v15  }
0x3c: {  	v28 =	vor.u32 v1, v12;
	v21 =	vld.idx.msk [tilespmem:v16+s2+$0x0], $0xffff;
	[tilespmem:s14+$0xFFFFFFF0] =	vst v18  }
0x3d: {  	v16 =	vld.idx.msk [tilespmem:v19+s2+$0x0], $0xffff;
	[tilespmem:s16+$0xFFFFFFE0] =	vst v20;
	v24 =	vor.u32 v0, v13  }
0x3e: {  	[tilespmem:s17+$0xFFFFFFD0] =	vst v23;
	v23 =	vor.u32 v7, v17;
	v15 =	vld.idx.msk [tilespmem:v22+s2+$0x0], $0xffff  }
0x3f: {  	s18 =	simm.s32 $0x42C0;
	v19 =	vor.u32 v6, v10;
	v14 =	vld.idx.msk [tilespmem:v25+s2+$0x0], $0xffff  }
0x40: {  	s20 =	simm.s32 $0x7;
	v17 =	vor.u32 v5, v8;
	v20 =	vld.idx.msk [tilespmem:v27+s2+$0x0], $0xffff;
	[tilespmem:s18+$0xFFFFFFC0] =	vst v26  }
0x41: {  	v18 =	vor.u32 v4, v9;
	v25 =	vmov s20;
	s20 =	simm.s32 $0x8;
	v22 =	vld.idx.msk [tilespmem:v28+s2+$0x0], $0xffff  }
.LBB2_2:
0x42: {  	p0 =	sne.s32 s20, $0x7F;
	v25 =	vand.u32 $0x7F, v25;
	v26 =	vld.idx.msk [tilespmem:v24+s2+$0x0], $0xffff;
	v27 =	vor.u32 v3, v11;
	[tilespmem:s19+$0x20] =	vst v21;
	s21 =	smov.u32 s14;
	s14 =	smov.u32 s16  }
0x43: {  	v28 =	vor.u32 v2, v12;
	s16 =	smov.u32 s17;
	s17 =	smov.u32 s18;
	v25 =	vbroadcast v25, $0x0;
	[tilespmem:s15+$0x10] =	vst v16;
	v29 =	vld.idx.msk [tilespmem:v23+s2+$0x0], $0xffff  }
0x44: {  	v30 =	vor.u32 v1, v13;
	[tilespmem:s21+$0x0] =	vst v15;
	v21 =	vld.idx.msk [tilespmem:v19+s2+$0x0], $0xffff  }
.Ltmp0:
0x45: {  	v24 =	vor.u32 v0, v25;
	[tilespmem:s14+$0xFFFFFFF0] =	vst v14;
	v16 =	vld.idx.msk [tilespmem:v17+s2+$0x0], $0xffff;
	(pc) =	sbr.rel @p0 .LBB2_2-.Ltmp0, $4  }
0x46: {  	v23 =	vor.u32 v7, v10;
	v10 =	vmovc v8;
	v8 =	vmov v9;
	v9 =	vmov v11;
	[tilespmem:s16+$0xFFFFFFE0] =	vst v20;
	v15 =	vld.idx.msk [tilespmem:v18+s2+$0x0], $0xffff  }
0x47: {  	s18 =	sadd.s32 $0x80, s18;
	v11 =	vmovc v12;
	v12 =	vmov v13;
	v19 =	vor.u32 v6, v10;
	v13 =	vmov v25;
	[tilespmem:s17+$0xFFFFFFD0] =	vst v22;
	v14 =	vld.idx.msk [tilespmem:v27+s2+$0x0], $0xffff  }
0x48: {  	v17 =	vor.u32 v5, v8;
	[tilespmem:s18+$0xFFFFFFC0] =	vst v26;
	v20 =	vld.idx.msk [tilespmem:v28+s2+$0x0], $0xffff  }
0x49: {  	v25 =	vmov s20;
	s20 =	sadd.s32 $0x1, s20;
	v18 =	vor.u32 v4, v9;
	v22 =	vld.idx.msk [tilespmem:v30+s2+$0x0], $0xffff;
	[tilespmem:s19+$0x30] =	vst v29;
	s19 =	smov.u32 s15;
	s15 =	smov.u32 s21  }
0x4a: {  	v25 =	vand.u32 $0x7F, v25  }
0x4b: {  	v25 =	vbroadcast v25, $0x0;
	_ =	sdelay $0x1  }
0x4c: {  	v26 =	vor.u32 v0, v25;
	_ =	sdelay $0x3  }
0x4d: {  	v24 =	vld.idx.msk [tilespmem:v24+s2+$0x0], $0xffff  }
0x4e: {  	v27 =	vor.u32 v1, v13;
	v26 =	vld.idx.msk [tilespmem:v26+s2+$0x0], $0xffff  }
0x4f: {  	v28 =	vor.u32 v1, v25;
	_ =	sdelay $0x1  }
0x50: {  	s20 =	sadd.s32 $0x80, s18  }
0x51: {  	s21 =	sadd.s32 $0x80, s20;
	[tilespmem:s20+$0xFFFFFFC0] =	vst v24  }
0x52: {  	v63 =	vor.u32 v2, v12;
	v24 =	vld.idx.msk [tilespmem:v27+s2+$0x0], $0xffff;
	[tilespmem:s21+$0xFFFFFFC0] =	vst v26  }
0x53: {  	v32 =	vor.u32 v2, v13;
	v33 =	vld.idx.msk [tilespmem:v28+s2+$0x0], $0xffff  }
0x54: {  	[tilespmem:s19+$0x20] =	vst v21;
	v34 =	vor.u32 v2, v25  }
0x55: {  	[tilespmem:s15+$0x10] =	vst v16  }
0x56: {  	[tilespmem:s18+$0xFFFFFFD0] =	vst v22  }
0x57: {  	v35 =	vor.u32 v3, v11;
	v22 =	vld.idx.msk [tilespmem:v63+s2+$0x0], $0xffff;
	[tilespmem:s20+$0xFFFFFFD0] =	vst v24  }
0x58: {  	v36 =	vor.u32 v3, v12;
	v24 =	vld.idx.msk [tilespmem:v32+s2+$0x0], $0xffff;
	[tilespmem:s21+$0xFFFFFFD0] =	vst v33  }
0x59: {  	v37 =	vor.u32 v3, v13;
	[tilespmem:s14+$0x0] =	vst v15;
	v38 =	vld.idx.msk [tilespmem:v34+s2+$0x0], $0xffff  }
0x5a: {  	v21 =	vld.idx.msk [tilespmem:v23+s2+$0x0], $0xffff;
	[tilespmem:s16+$0xFFFFFFF0] =	vst v14;
	v39 =	vor.u32 v3, v25  }
0x5b: {  	v19 =	vld.idx.msk [tilespmem:v19+s2+$0x0], $0xffff;
	[tilespmem:s17+$0xFFFFFFE0] =	vst v20  }
0x5c: {  	v20 =	vld.idx.msk [tilespmem:v35+s2+$0x0], $0xffff;
	[tilespmem:s18+$0xFFFFFFE0] =	vst v22  }
0x5d: {  	v40 =	vor.u32 v4, v11;
	v22 =	vld.idx.msk [tilespmem:v36+s2+$0x0], $0xffff;
	[tilespmem:s20+$0xFFFFFFE0] =	vst v24  }
0x5e: {  	v41 =	vor.u32 v4, v12;
	v16 =	vld.idx.msk [tilespmem:v37+s2+$0x0], $0xffff;
	[tilespmem:s21+$0xFFFFFFE0] =	vst v38  }
0x5f: {  	v42 =	vor.u32 v4, v13;
	[tilespmem:s19+$0x30] =	vst v21;
	v15 =	vld.idx.msk [tilespmem:v39+s2+$0x0], $0xffff  }
0x60: {  	v17 =	vld.idx.msk [tilespmem:v17+s2+$0x0], $0xffff;
	v43 =	vor.u32 v4, v25;
	[tilespmem:s15+$0x20] =	vst v19  }
0x61: {  	v10 =	vor.u32 v7, v10;
	v18 =	vld.idx.msk [tilespmem:v18+s2+$0x0], $0xffff;
	[tilespmem:s17+$0xFFFFFFF0] =	vst v20  }
0x62: {  	v44 =	vor.u32 v5, v9;
	v21 =	vld.idx.msk [tilespmem:v40+s2+$0x0], $0xffff;
	[tilespmem:s18+$0xFFFFFFF0] =	vst v22  }
0x63: {  	v45 =	vor.u32 v5, v11;
	v23 =	vld.idx.msk [tilespmem:v41+s2+$0x0], $0xffff;
	[tilespmem:s20+$0xFFFFFFF0] =	vst v16  }
0x64: {  	v46 =	vor.u32 v5, v12;
	v14 =	vld.idx.msk [tilespmem:v42+s2+$0x0], $0xffff;
	[tilespmem:s21+$0xFFFFFFF0] =	vst v15  }
0x65: {  	v47 =	vor.u32 v5, v13;
	[tilespmem:s14+$0x10] =	vst v17;
	v48 =	vld.idx.msk [tilespmem:v43+s2+$0x0], $0xffff  }
0x66: {  	v49 =	vor.u32 v5, v25;
	v10 =	vld.idx.msk [tilespmem:v10+s2+$0x0], $0xffff;
	[tilespmem:s16+$0x0] =	vst v18  }
0x67: {  	v50 =	vor.u32 v6, v8;
	v20 =	vld.idx.msk [tilespmem:v44+s2+$0x0], $0xffff;
	[tilespmem:s17+$0x0] =	vst v21  }
0x68: {  	v51 =	vor.u32 v6, v9;
	v22 =	vld.idx.msk [tilespmem:v45+s2+$0x0], $0xffff;
	[tilespmem:s18+$0x0] =	vst v23  }
0x69: {  	v52 =	vor.u32 v6, v11;
	v16 =	vld.idx.msk [tilespmem:v46+s2+$0x0], $0xffff;
	[tilespmem:s20+$0x0] =	vst v14  }
0x6a: {  	v53 =	vor.u32 v6, v12;
	v15 =	vld.idx.msk [tilespmem:v47+s2+$0x0], $0xffff;
	[tilespmem:s21+$0x0] =	vst v48  }
0x6b: {  	v54 =	vor.u32 v6, v13;
	[tilespmem:s15+$0x30] =	vst v10;
	v17 =	vld.idx.msk [tilespmem:v49+s2+$0x0], $0xffff  }
0x6c: {  	v56 =	vor.u32 v6, v25;
	v55 =	vld.idx.msk [tilespmem:v50+s2+$0x0], $0xffff;
	[tilespmem:s16+$0x10] =	vst v20  }
0x6d: {  	v8 =	vor.u32 v7, v8;
	v20 =	vld.idx.msk [tilespmem:v51+s2+$0x0], $0xffff;
	[tilespmem:s17+$0x10] =	vst v22  }
0x6e: {  	v57 =	vor.u32 v7, v9;
	v58 =	vld.idx.msk [tilespmem:v52+s2+$0x0], $0xffff;
	[tilespmem:s18+$0x10] =	vst v16  }
0x6f: {  	v59 =	vor.u32 v7, v11;
	v14 =	vld.idx.msk [tilespmem:v53+s2+$0x0], $0xffff;
	[tilespmem:s20+$0x10] =	vst v15  }
0x70: {  	v60 =	vor.u32 v7, v12;
	v10 =	vld.idx.msk [tilespmem:v54+s2+$0x0], $0xffff;
	[tilespmem:s21+$0x10] =	vst v17  }
0x71: {  	v61 =	vor.u32 v7, v13;
	[tilespmem:s14+$0x20] =	vst v55;
	v62 =	vld.idx.msk [tilespmem:v56+s2+$0x0], $0xffff  }
0x72: {  	v63 =	vor.u32 v7, v25;
	v8 =	vld.idx.msk [tilespmem:v8+s2+$0x0], $0xffff;
	[tilespmem:s16+$0x20] =	vst v20  }
0x73: {  	v9 =	vld.idx.msk [tilespmem:v57+s2+$0x0], $0xffff;
	[tilespmem:s17+$0x20] =	vst v58  }
0x74: {  	v11 =	vld.idx.msk [tilespmem:v59+s2+$0x0], $0xffff;
	[tilespmem:s18+$0x20] =	vst v14  }
0x75: {  	v12 =	vld.idx.msk [tilespmem:v60+s2+$0x0], $0xffff;
	[tilespmem:s20+$0x20] =	vst v10  }
0x76: {  	v10 =	vld.idx.msk [tilespmem:v61+s2+$0x0], $0xffff;
	[tilespmem:s21+$0x20] =	vst v62  }
0x77: {  	[tilespmem:s14+$0x30] =	vst v8;
	v8 =	vld.idx.msk [tilespmem:v63+s2+$0x0], $0xffff  }
0x78: {  	[tilespmem:s16+$0x30] =	vst v9  }
0x79: {  	[tilespmem:s17+$0x30] =	vst v11  }
0x7a: {  	[tilespmem:s18+$0x30] =	vst v12  }
0x7b: {  	[tilespmem:s20+$0x30] =	vst v10  }
0x7c: {  	[tilespmem:s21+$0x30] =	vst v8  }
0x7d: {  	[hbm4b:s5+s8] =	stream.strided.scatter [tilespmem:s12], [sflag:$0x1], $0x4000, s11, s8, $0x38;
	[tilespmem:$0x8000] =	vst v63  }
0x7e: {  	s13 =	sadd.s32 $0x1, s13  }
0x7f: {  	[hbm4b:s6+s8] =	stream.strided.scatter [tilespmem:s12], [sflag:$0x1], $0x4000, s11, s8, $0x38;
	[tilespmem:$0x8000] =	vst v63  }
0x80: {  	p0 =	sne.s32 s13, s7;
	_ =	swait.ge [sflag:s3], $0x4000  }
.Ltmp1:
0x81: {  	[sflag:s3] =	ssyncset.done $0x0;
	(pc) =	sbr.rel @p0 .LBB2_1-.Ltmp1, $4  }
0x82: {  	[sflag:s3] =	ssyncadd.s32 $0xFFFFC000  }
0x83: {  	_ =	swait.ge [sflag:s3], $0x4000  }
0x84: {  	[sflag:s3] =	ssyncset.done $0x0  }
0x85: {  	[sflag:s3] =	ssyncadd.s32 $0xFFFFC000  }
0x86: {  	_ =	sfence.sel $0x180000  }
0x87: {  	[bflag:$0x0] =	sbarrier.arrive $0xFFFF  }
0x88: {  	p0 =	sne.s32 s0, $0x0;
	_ =	strace $0x90000047  }
0x89: {  	s0 =	sadd.s32 @!p0 $0x100000, s1;
	[bflag:$0x2] =	sbarrier.arrive $0xFFFF  }
0x8a: {  	[sflag:s0] =	ssyncadd.tile.s32 @!p0 $0x1;
	_ =	shalt  }
.Lfunc_end2:
_tile_overlayer_lowered:
.L_overlay_start_2:
0x8b: {  	(tag) =	ssettag $0x2  }
0x8c: {  	s0 =	rddreg [dreg:$0x0];
	s2 =	stileid.u32  }
0x8d: {  	s1 =	rddreg [dreg:$0x1];
	p0 =	sne.s32 s2, $0x0  }
0x8e: {  	s3 =	rddreg [dreg:$0x2];
	[bflag:$0x3] =	sbarrier.arrive $0xFFFF;
	s2 =	simm.s32 @!p0 $0x1C02  }
0x8f: {  	[timem:s3], [sflag:s2] =	dma.local @!p0 [hbm:s0], s1  }
0x90: {  	s0 =	simm.s32 @!p0 $0x2  }
0x91: {  	_ =	swait.ge @!p0 [sflag:s0], s1  }
0x92: {  	s1 =	ssub.s32 @!p0 $0x0, s1;
	[sflag:s0] =	ssyncset.done @!p0 $0x0  }
0x93: {  	[sflag:s0] =	ssyncadd.s32 @!p0 s1  }
0x94: {  	[bflag:$0x3] =	sbarrier.arrive $0xFFFF  }
0x95: {  	_ =	shalt  }

</sc_bundles>
